<compile_context>
chip_gen: v7x
topology: tpu7x:2x2x1
jax: 0.10.2.dev20260603
libtpu: 0.0.44.dev20260713+nightly
codegen_flags: <defaults>
</compile_context>

<pallas_src>
import functools

import jax
import jax.numpy as jnp
from jax import lax
from jax.experimental import pallas as pl
from jax.experimental.pallas import tpu as pltpu
from jax.experimental.pallas import tpu_sc as plsc

N_SAE = 8
D_DATA = 256
D_DICT = 1024
TOKENS = 2048
TOP_K = 2
EB = 256
NBLK = 23
NPAD = NBLK * EB
NPAIR = TOKENS * TOP_K

NC = 2
NS = 16
NW = NC * NS
PAIRS_PER_W = NPAIR // NW
TOK_PER_W = TOKENS // NW


def _wid():
    return lax.axis_index("s") * NC + lax.axis_index("c")


@functools.cache
def _sc_kernels():
    mesh = plsc.VectorSubcoreMesh(
        core_axis_name="c", subcore_axis_name="s",
        num_cores=NC, num_subcores=NS)

    @functools.partial(
        pl.kernel,
        out_type=(
            jax.ShapeDtypeStruct((NPAD, D_DATA), jnp.float32),
            jax.ShapeDtypeStruct((NPAD, 128), jnp.float32),
        ),
        mesh=mesh,
        scratch_types=[
            pltpu.VMEM((PAIRS_PER_W,), jnp.int32),
            pltpu.VMEM((PAIRS_PER_W,), jnp.int32),
            pltpu.VMEM((PAIRS_PER_W, D_DATA), jnp.float32),
            pltpu.VMEM((PAIRS_PER_W, 128), jnp.float32),
            pltpu.SemaphoreType.DMA,
        ],
    )
    def _dispatch(x_hbm, wr_hbm, tok_hbm, dst_hbm, xs_hbm, wp_hbm,
                  tv, dv, rows, wv, sem):
        base = _wid() * PAIRS_PER_W
        pltpu.sync_copy(tok_hbm.at[pl.ds(base, PAIRS_PER_W)], tv)
        pltpu.sync_copy(dst_hbm.at[pl.ds(base, PAIRS_PER_W)], dv)
        pltpu.sync_copy(wr_hbm.at[pl.ds(base, PAIRS_PER_W)], wv)
        gather = pltpu.async_copy(x_hbm.at[tv], rows, sem)
        gather.wait()
        sc1 = pltpu.async_copy(rows, xs_hbm.at[dv], sem)
        sc2 = pltpu.async_copy(wv, wp_hbm.at[dv], sem)
        sc1.wait()
        sc2.wait()

    @functools.partial(
        pl.kernel,
        out_type=jax.ShapeDtypeStruct((TOKENS, D_DATA), jnp.float32),
        mesh=mesh,
        scratch_types=[
            pltpu.VMEM((TOK_PER_W,), jnp.int32),
            pltpu.VMEM((TOK_PER_W,), jnp.int32),
            pltpu.VMEM((TOK_PER_W, D_DATA), jnp.float32),
            pltpu.VMEM((TOK_PER_W, D_DATA), jnp.float32),
            pltpu.SemaphoreType.DMA,
        ],
    )
    def _combine(y_hbm, p0_hbm, p1_hbm, out_hbm, p0v, p1v, buf0, buf1, sem):
        tbase = _wid() * TOK_PER_W
        pltpu.sync_copy(p0_hbm.at[pl.ds(tbase, TOK_PER_W)], p0v)
        pltpu.sync_copy(p1_hbm.at[pl.ds(tbase, TOK_PER_W)], p1v)
        cp0 = pltpu.async_copy(y_hbm.at[p0v], buf0, sem)
        cp1 = pltpu.async_copy(y_hbm.at[p1v], buf1, sem)
        cp0.wait()
        cp1.wait()

        def body(t, carry):
            for c in range(D_DATA // 16):
                sl = pl.ds(c * 16, 16)
                buf0[t, sl] = buf0[t, sl] + buf1[t, sl]
            return carry

        lax.fori_loop(0, TOK_PER_W, body, 0)
        pltpu.sync_copy(buf0, out_hbm.at[pl.ds(tbase, TOK_PER_W)])

    return _dispatch, _combine


def _mm_body(eob_ref, nused_ref, xs_ref, wp_ref, we_ref, be_ref, wd_ref,
             bd_ref, y_ref):
    del eob_ref

    @pl.when(pl.program_id(0) < nused_ref[0])
    def _():
        acts = jnp.maximum(
            jnp.dot(xs_ref[...], we_ref[0], preferred_element_type=jnp.float32)
            + be_ref[0],
            0.0,
        )
        dec = jnp.dot(acts, wd_ref[0], preferred_element_type=jnp.float32)
        y_ref[...] = dec * wp_ref[:, :1] + bd_ref[0]


def _grouped_mm(x_sorted, w_padded, eob, nused, W_enc, b_enc, W_dec, b_dec):
    return pl.pallas_call(
        _mm_body,
        grid_spec=pltpu.PrefetchScalarGridSpec(
            num_scalar_prefetch=2,
            grid=(NBLK,),
            in_specs=[
                pl.BlockSpec((EB, D_DATA), lambda i, eob, nu: (i, 0)),
                pl.BlockSpec((EB, 1), lambda i, eob, nu: (i, 0)),
                pl.BlockSpec((1, D_DATA, D_DICT),
                             lambda i, eob, nu: (eob[i], 0, 0)),
                pl.BlockSpec((1, 1, D_DICT), lambda i, eob, nu: (eob[i], 0, 0)),
                pl.BlockSpec((1, D_DICT, D_DATA),
                             lambda i, eob, nu: (eob[i], 0, 0)),
                pl.BlockSpec((1, 1, D_DATA), lambda i, eob, nu: (eob[i], 0, 0)),
            ],
            out_specs=pl.BlockSpec((EB, D_DATA), lambda i, eob, nu: (i, 0)),
        ),
        out_shape=jax.ShapeDtypeStruct((NPAD, D_DATA), jnp.float32),
        compiler_params=pltpu.CompilerParams(
            dimension_semantics=("arbitrary",),
        ),
    )(eob, nused, x_sorted, w_padded, W_enc,
      b_enc.reshape(N_SAE, 1, D_DICT), W_dec, b_dec.reshape(N_SAE, 1, D_DATA))


def _routing(gate):
    iota8 = jnp.arange(N_SAE, dtype=jnp.int32)
    e0 = jnp.argmax(gate, axis=1).astype(jnp.int32)
    oh0 = (e0[:, None] == iota8[None, :]).astype(gate.dtype)
    g0 = jnp.sum(gate * oh0, axis=1)
    gate1 = gate * (1.0 - oh0)
    e1 = jnp.argmax(gate1, axis=1).astype(jnp.int32)
    oh1 = (e1[:, None] == iota8[None, :]).astype(gate.dtype)
    g1 = jnp.sum(gate1 * oh1, axis=1)

    e_flat = jnp.stack([e0, e1], axis=1).reshape(-1)
    oh = (e_flat[:, None] == iota8[None, :]).astype(jnp.int32)
    cum = jnp.cumsum(oh, axis=0)
    counts = cum[-1]
    rank = jnp.sum(cum * oh, axis=1) - 1
    nblk = (counts + EB - 1) // EB
    cumblk = jnp.cumsum(nblk)
    row_start = (cumblk - nblk) * EB
    dst = (jnp.sum(row_start[None, :] * oh, axis=1)
           + rank).astype(jnp.int32)
    blk_iota = jnp.arange(NBLK, dtype=jnp.int32)
    eob = jnp.sum((cumblk[None, :] <= blk_iota[:, None]).astype(jnp.int32),
                  axis=1)
    eob = jnp.minimum(eob, N_SAE - 1).astype(jnp.int32)
    nused = cumblk[-1:].astype(jnp.int32)
    tok_flat = (jnp.arange(NPAIR, dtype=jnp.int32) // TOP_K)
    w_flat = jnp.stack([g0, g1], axis=1).reshape(-1)
    return tok_flat, dst, w_flat, eob, nused


def kernel(x, gate, W_enc, b_enc, W_dec, b_dec):
    tok_flat, dst, w_flat, eob, nused = _routing(gate)
    x_pairs = jnp.repeat(x, TOP_K, axis=0)
    x_sorted = jnp.zeros((NPAD, D_DATA), jnp.float32).at[dst].set(x_pairs)
    w_padded = jnp.zeros((NPAD, 1), jnp.float32).at[dst, 0].set(w_flat)
    y = _grouped_mm(x_sorted, w_padded, eob, nused, W_enc, b_enc, W_dec, b_dec)
    pos = dst.reshape(TOKENS, TOP_K)
    out = y[pos[:, 0]] + y[pos[:, 1]]
    return out

# --- scband reference (transcript-rebuilt; emitter-appended) ---
"""Pipeline reference for scband-hierarchical-auto-encoder-layer-60790967108240 (READ-ONLY COPY).

The authoritative reference and input builder live on the scoring server;
editing this copy changes nothing except your own understanding.
"""

import jax, jax.numpy as jnp
import numpy as np

N_SAE = 8
D_DATA = 256
D_DICT = 1024
TOKENS = 2048
TOP_K = 2
DATA_RESCALE = 1.0


def setup_inputs(seed: int = 0) -> dict:
    key = jax.random.key(seed)
    ks = jax.random.split(key, 6)
    x = jax.random.normal(ks[0], (TOKENS, D_DATA), dtype=jnp.float32)
    # build a realistic sparse MoE-style gate: top_k experts per token, softmax weights,
    # zeros elsewhere (the torch module routes tokens by gate != 0).
    router_logits = jax.random.normal(ks[1], (TOKENS, N_SAE), dtype=jnp.float32)
    topv, topi = jax.lax.top_k(router_logits, TOP_K)
    w = jax.nn.softmax(topv, axis=-1)
    gate = jnp.zeros((TOKENS, N_SAE), dtype=jnp.float32)
    gate = gate.at[jnp.arange(TOKENS)[:, None], topi].set(w)
    # learned parameters (per-head SAE weights), kaiming-uniform-ish init
    lim_enc = float(np.sqrt(6.0 / D_DATA))
    lim_dec = float(np.sqrt(6.0 / D_DICT))
    W_enc = jax.random.uniform(ks[2], (N_SAE, D_DATA, D_DICT), dtype=jnp.float32, minval=-lim_enc, maxval=lim_enc)
    W_dec = jax.random.uniform(ks[3], (N_SAE, D_DICT, D_DATA), dtype=jnp.float32, minval=-lim_dec, maxval=lim_dec)
    W_dec = W_dec / jnp.linalg.norm(W_dec, axis=-1, keepdims=True)
    b_enc = jnp.zeros((N_SAE, D_DICT), dtype=jnp.float32)
    b_dec = jnp.zeros((N_SAE, D_DATA), dtype=jnp.float32)
    return {"x": x, "gate": gate, "W_enc": W_enc, "b_enc": b_enc, "W_dec": W_dec, "b_dec": b_dec}


def reference(x, gate, W_enc, b_enc, W_dec, b_dec):
    # Faithful dense-masked equivalent of HierarchicalAutoEncoderLayer.sparse_forward:
    # only (token, sae) pairs with gate != 0 contribute; for those pairs
    #   flat_acts = relu(scale(x) @ W_enc[s] + b_enc[s])
    #   out[b]   += (gate[b,s] * flat_acts) @ W_dec[s] + b_dec[s]   (scatter_add over batch idx)
    # and finally unscale. scale_b_dec=False so b_dec is not rescaled.
    xs = x * DATA_RESCALE
    mask = (gate != 0).astype(xs.dtype)  # [B, S]
    pre = jnp.einsum('bd,sde->bse', xs, W_enc) + b_enc[None, :, :]
    acts = jax.nn.relu(pre)  # [B, S, d_dict]
    gated = acts * gate[:, :, None]  # gate==0 kills inactive pairs exactly as the sparse path
    x_out = jnp.einsum('bse,sed->bd', gated, W_dec) + mask @ b_dec  # b_dec added once per active pair
    return x_out / DATA_RESCALE

if __name__ == "__main__":
    import jax
    _d = setup_inputs()
    print(jax.jit(kernel)(*tuple(_d.values())))

</pallas_src>

<mosaic_0001>
module attributes {stable_mosaic.version = 14 : i64} {
  func.func @_mm_body(%arg0: i32, %arg1: memref<23xi32, #tpu.memory_space<smem>>, %arg2: memref<1xi32, #tpu.memory_space<smem>>, %arg3: memref<256x256xf32, #tpu.memory_space<vmem>>, %arg4: memref<256x1xf32, #tpu.memory_space<vmem>>, %arg5: memref<1x256x1024xf32, #tpu.memory_space<vmem>>, %arg6: memref<1x1x1024xf32, #tpu.memory_space<vmem>>, %arg7: memref<1x1024x256xf32, #tpu.memory_space<vmem>>, %arg8: memref<1x1x256xf32, #tpu.memory_space<vmem>>, %arg9: memref<256x256xf32, #tpu.memory_space<vmem>>) attributes {dimension_semantics = [#tpu.dimension_semantics<arbitrary>], iteration_bounds = array<i64: 23>, scalar_prefetch = 2 : i64, scratch_operands = 0 : i64, tpu.core_type = #tpu.core_type<tc>, window_params = [{transform_indices = @transform_0, window_bounds = array<i64: 256, 256>}, {transform_indices = @transform_1, window_bounds = array<i64: 256, 1>}, {transform_indices = @transform_2, window_bounds = array<i64: 1, 256, 1024>}, {transform_indices = @transform_3, window_bounds = array<i64: 1, 1, 1024>}, {transform_indices = @transform_4, window_bounds = array<i64: 1, 1024, 256>}, {transform_indices = @transform_5, window_bounds = array<i64: 1, 1, 256>}, {transform_indices = @transform_6, window_bounds = array<i64: 256, 256>}]} {
    %get3A = arith.constant 0 : index
    %get3A_0 = memref.load %arg2[%get3A] : memref<1xi32, #tpu.memory_space<smem>>
    %lt3A = arith.cmpi slt, %arg0, %get3A_0 : i32
    %convert_element_type3A = arith.extui %lt3A : i1 to i32
    %cond3A = arith.constant 0 : i32
    %cond3A_1 = arith.cmpi ne, %convert_element_type3A, %cond3A : i32
    scf.if %cond3A_1 {
      %get3A_2 = arith.constant 0 : index
      %get3A_3 = arith.constant 0 : index
      %get3A_4 = vector.load %arg3[%get3A_2, %get3A_3] : memref<256x256xf32, #tpu.memory_space<vmem>>, vector<256x256xf32>
      %get3A_5 = arith.constant 0 : index
      %get3A_6 = arith.constant 0 : index
      %get3A_7 = arith.constant 0 : index
      %get3A_8 = vector.load %arg5[%get3A_5, %get3A_6, %get3A_7] : memref<1x256x1024xf32, #tpu.memory_space<vmem>>, vector<1x256x1024xf32>
      %get3A_9 = vector.shape_cast %get3A_8 : vector<1x256x1024xf32> to vector<256x1024xf32>
      %dot_general3A = arith.constant dense<0.000000e+00> : vector<256x1024xf32>
      %dot_general3A_10 = tpu.matmul %get3A_4, %get3A_9, %dot_general3A {dimension_numbers = #tpu.dot_dimension_numbers<[1], [0], [0], [1], [0, 0, 1, 1], [], []>, transpose_lhs_hint = false} : vector<256x256xf32>, vector<256x1024xf32>, vector<256x1024xf32> -> vector<256x1024xf32>
      %get3A_11 = arith.constant 0 : index
      %get3A_12 = arith.constant 0 : index
      %get3A_13 = arith.constant 0 : index
      %get3A_14 = vector.load %arg6[%get3A_11, %get3A_12, %get3A_13] : memref<1x1x1024xf32, #tpu.memory_space<vmem>>, vector<1x1x1024xf32>
      %get3A_15 = vector.shape_cast %get3A_14 : vector<1x1x1024xf32> to vector<1x1024xf32>
      %add3A = vector.broadcast %get3A_15 : vector<1x1024xf32> to vector<256x1024xf32>
      %add3A_16 = arith.addf %dot_general3A_10, %add3A : vector<256x1024xf32>
      %max3A = arith.constant 0.000000e+00 : f32
      %max3A_17 = vector.broadcast %max3A : f32 to vector<256x1024xf32>
      %max3A_18 = arith.maximumf %add3A_16, %max3A_17 : vector<256x1024xf32>
      %get3A_19 = arith.constant 0 : index
      %get3A_20 = arith.constant 0 : index
      %get3A_21 = arith.constant 0 : index
      %get3A_22 = vector.load %arg7[%get3A_19, %get3A_20, %get3A_21] : memref<1x1024x256xf32, #tpu.memory_space<vmem>>, vector<1x1024x256xf32>
      %get3A_23 = vector.shape_cast %get3A_22 : vector<1x1024x256xf32> to vector<1024x256xf32>
      %dot_general3A_24 = arith.constant dense<0.000000e+00> : vector<256x256xf32>
      %dot_general3A_25 = tpu.matmul %max3A_18, %get3A_23, %dot_general3A_24 {dimension_numbers = #tpu.dot_dimension_numbers<[1], [0], [0], [1], [0, 0, 1, 1], [], []>, transpose_lhs_hint = false} : vector<256x1024xf32>, vector<1024x256xf32>, vector<256x256xf32> -> vector<256x256xf32>
      %get3A_26 = arith.constant 0 : index
      %get3A_27 = arith.constant 0 : index
      %get3A_28 = vector.load %arg4[%get3A_26, %get3A_27] : memref<256x1xf32, #tpu.memory_space<vmem>>, vector<256x1xf32>
      %mul3A = vector.broadcast %get3A_28 : vector<256x1xf32> to vector<256x256xf32>
      %mul3A_29 = arith.mulf %dot_general3A_25, %mul3A : vector<256x256xf32>
      %get3A_30 = arith.constant 0 : index
      %get3A_31 = arith.constant 0 : index
      %get3A_32 = arith.constant 0 : index
      %get3A_33 = vector.load %arg8[%get3A_30, %get3A_31, %get3A_32] : memref<1x1x256xf32, #tpu.memory_space<vmem>>, vector<1x1x256xf32>
      %get3A_34 = vector.shape_cast %get3A_33 : vector<1x1x256xf32> to vector<1x256xf32>
      %add3A_35 = vector.broadcast %get3A_34 : vector<1x256xf32> to vector<256x256xf32>
      %add3A_36 = arith.addf %mul3A_29, %add3A_35 : vector<256x256xf32>
      %swap3A = arith.constant 0 : index
      %swap3A_37 = arith.constant 0 : index
      %swap3A_38 = vector.load %arg9[%swap3A, %swap3A_37] : memref<256x256xf32, #tpu.memory_space<vmem>>, vector<256x256xf32>
      tpu.vector_store %arg9[%swap3A, %swap3A_37], %add3A_36 {strides = array<i32>} : memref<256x256xf32, #tpu.memory_space<vmem>>, vector<256x256xf32>,
    } else {
    }
    return
  }
  func.func @transform_0(%arg0: i32, %arg1: memref<23xi32, #tpu.memory_space<smem>>, %arg2: memref<1xi32, #tpu.memory_space<smem>>) -> (i32, i32) {
    %c0_i32 = arith.constant 0 : i32
    %c0_i32_0 = arith.constant 0 : i32
    return %arg0, %c0_i32 : i32, i32
  }
  func.func @transform_1(%arg0: i32, %arg1: memref<23xi32, #tpu.memory_space<smem>>, %arg2: memref<1xi32, #tpu.memory_space<smem>>) -> (i32, i32) {
    %c0_i32 = arith.constant 0 : i32
    %c0_i32_0 = arith.constant 0 : i32
    return %arg0, %c0_i32 : i32, i32
  }
  func.func @transform_2(%arg0: i32, %arg1: memref<23xi32, #tpu.memory_space<smem>>, %arg2: memref<1xi32, #tpu.memory_space<smem>>) -> (i32, i32, i32) {
    %get3A = arith.index_cast %arg0 : i32 to index
    %get3A_0 = memref.load %arg1[%get3A] : memref<23xi32, #tpu.memory_space<smem>>
    %c0_i32 = arith.constant 0 : i32
    %c0_i32_1 = arith.constant 0 : i32
    %c0_i32_2 = arith.constant 0 : i32
    return %get3A_0, %c0_i32, %c0_i32_1 : i32, i32, i32
  }
  func.func @transform_3(%arg0: i32, %arg1: memref<23xi32, #tpu.memory_space<smem>>, %arg2: memref<1xi32, #tpu.memory_space<smem>>) -> (i32, i32, i32) {
    %get3A = arith.index_cast %arg0 : i32 to index
    %get3A_0 = memref.load %arg1[%get3A] : memref<23xi32, #tpu.memory_space<smem>>
    %c0_i32 = arith.constant 0 : i32
    %c0_i32_1 = arith.constant 0 : i32
    %c0_i32_2 = arith.constant 0 : i32
    return %get3A_0, %c0_i32, %c0_i32_1 : i32, i32, i32
  }
  func.func @transform_4(%arg0: i32, %arg1: memref<23xi32, #tpu.memory_space<smem>>, %arg2: memref<1xi32, #tpu.memory_space<smem>>) -> (i32, i32, i32) {
    %get3A = arith.index_cast %arg0 : i32 to index
    %get3A_0 = memref.load %arg1[%get3A] : memref<23xi32, #tpu.memory_space<smem>>
    %c0_i32 = arith.constant 0 : i32
    %c0_i32_1 = arith.constant 0 : i32
    %c0_i32_2 = arith.constant 0 : i32
    return %get3A_0, %c0_i32, %c0_i32_1 : i32, i32, i32
  }
  func.func @transform_5(%arg0: i32, %arg1: memref<23xi32, #tpu.memory_space<smem>>, %arg2: memref<1xi32, #tpu.memory_space<smem>>) -> (i32, i32, i32) {
    %get3A = arith.index_cast %arg0 : i32 to index
    %get3A_0 = memref.load %arg1[%get3A] : memref<23xi32, #tpu.memory_space<smem>>
    %c0_i32 = arith.constant 0 : i32
    %c0_i32_1 = arith.constant 0 : i32
    %c0_i32_2 = arith.constant 0 : i32
    return %get3A_0, %c0_i32, %c0_i32_1 : i32, i32, i32
  }
  func.func @transform_6(%arg0: i32, %arg1: memref<23xi32, #tpu.memory_space<smem>>, %arg2: memref<1xi32, #tpu.memory_space<smem>>) -> (i32, i32) {
    %c0_i32 = arith.constant 0 : i32
    %c0_i32_0 = arith.constant 0 : i32
    return %arg0, %c0_i32 : i32, i32
  }
}

</mosaic_0001>

<sc_bundles>
// kernel: gather_offload_async_start.1
scs
__scs_entry_jumppad:
0x0: {  	(pc) =	sbr.rel $0x88, $3  }
0x1: {  	(tag) =	ssettag $0x0;
	lr =	simm.s32 $0x1  }
0x2: {  	[smem:$0x3F9B] =	sst lr;
	_ =	strace $0xD0000000  }
0x3: {  	_ = 	snop  }
0x4: {  	_ = 	snop  }
0x5: {  	_ = 	snop  }
0x6: {  	_ = 	snop  }
0x7: {  	_ = 	snop  }
__scs_overlays_trampoline_lowered:
0x8: {  	[smem:$0x3FAA] =	sst s0  }
0x9: {  	[smem:$0x3FAB] =	sst s1  }
0xa: {  	[smem:$0x3FAC] =	sst s2  }
0xb: {  	[smem:$0x3FAD] =	sst s3  }
0xc: {  	[smem:$0x3FAE] =	sst s4  }
0xd: {  	[smem:$0x3FAF] =	sst s5  }
0xe: {  	[smem:$0x3FB0] =	sst s6  }
0xf: {  	[smem:$0x3FB1] =	sst s7  }
0x10: {  	[smem:$0x3FB2] =	sst s8  }
0x11: {  	[smem:$0x3FB3] =	sst s9;
	s0 =	simm.s32 @!p0 $0x0  }
0x12: {  	s1 =	sld [smem:$0x3F99];
	s0 =	simm.s32 @p0 $0x1  }
0x13: {  	[smem:$0x3FB4] =	sst s0;
	s0 =	simm.s32 @!p1 $0x0  }
0x14: {  	s2 =	sld [smem:$0x3F98];
	s0 =	simm.s32 @p1 $0x1  }
0x15: {  	[smem:$0x3FB5] =	sst s0;
	s0 =	simm.s32 @!p2 $0x0  }
0x16: {  	s3 =	sld [smem:$0x3FDB];
	s0 =	simm.s32 @p2 $0x1  }
0x17: {  	s4 =	simm.s32 $0x1BF5;
	[smem:$0x3FB7] =	sst s0  }
0x18: {  	s0 =	sld [smem:$0x3F9A];
	_ =	swait.ge [sflag:s4], $0x0  }
0x19: {  	s7 =	sld [smem:$0x3F9B]  }
0x1a: {  	s8 =	sadd.s32 $0xFFFFE003, lr  }
0x1b: {  	s9 =	sadd.s32 $0xFFFFFEF7, lr;
	s5 =	simm.s32 $0xFFFFFFFF;
	p2 =	slt.u32 s8, $0xFFFFF086  }
0x1c: {  	p1 =	slt.u32 s9, $0xF7A;
	s5 =	simm.s32 @!p2 $0x0  }
0x1d: {  	s5 =	simm.s32 @p1 $0x1;
	p0 =	seq.s32 s7, s2  }
0x1e: {  	s7 =	smul.u32 @!p0 $0xF7A, s2;
	p2 =	seq.s32 @!p0 s5, $0x0  }
0x1f: {  	s9 =	smul.u32 $0xF7A, s1;
	s8 =	simm.s32 @!p0 $0x1BF5;
	p2 =	por !p2, p0  }
0x20: {  	[sflag:s8] =	ssyncset.s32 @!p0 $0xFFFFF086;
	s6 =	sadd.s32 @!p0 s3, s7;
	s7 =	simm.s32 @!p0 $0x108  }
0x21: {  	s3 =	sadd.s32 s3, s9;
	s6 =	sadd.s32 @!p0 $0x88, s6;
	s7 =	simm.s32 @p2 $0x1082  }
0x22: {  	[simem:s7], [sflag:s8] =	dma.local @!p0 [hbm:s6], $0xF7A  }
0x23: {  	s9 =	sor.u32 $0xD0000000, s2;
	s6 =	simm.s32 $0x108;
	_ =	swait.ge @!p0 [sflag:s8], $0x0  }
0x24: {  	s3 =	sadd.s32 $0x88, s3;
	s6 =	simm.s32 @!p1 $0x1082;
	[sflag:s4] =	ssyncset.s32 $0xFFFFF086  }
0x25: {  	[simem:s6], [sflag:s4] =	dma.local [hbm:s3], $0xF7A  }
0x26: {  	[smem:$0x3F9B] =	sst s1;
	(tag) =	ssettag s2;
	_ =	strace s9  }
0x27: {  	s1 =	sld [smem:$0x3FAB]  }
0x28: {  	s2 =	sld [smem:$0x3FAC]  }
0x29: {  	s4 =	sld [smem:$0x3FAE]  }
0x2a: {  	p0 =	seq.s32 s5, $0x0;
	s5 =	sld [smem:$0x3FAF]  }
0x2b: {  	s6 =	sld [smem:$0x3FB0]  }
0x2c: {  	s7 =	sld [smem:$0x3FB1]  }
0x2d: {  	s3 =	simm.s32 $0x108;
	s8 =	sld [smem:$0x3FB2]  }
0x2e: {  	s3 =	simm.s32 @!p0 $0x1082;
	s9 =	sld [smem:$0x3FB3]  }
0x2f: {  	lr =	sadd.s32 s0, s3;
	s0 =	sld [smem:$0x3FAA]  }
0x30: {  	s3 =	sld [smem:$0x3FAD]  }
0x31: {  	[smem:$0x3FB6] =	sst s10  }
0x32: {  	s10 =	sld [smem:$0x3FB4];
	_ =	sdelay $0x3  }
0x33: {  	p0 =	seq.s32 s10, $0x1;
	s10 =	sld [smem:$0x3FB6];
	_ =	sdelay $0x3  }
0x34: {  	[smem:$0x3FB6] =	sst s10  }
0x35: {  	s10 =	sld [smem:$0x3FB5];
	_ =	sdelay $0x3  }
0x36: {  	p1 =	seq.s32 s10, $0x1;
	s10 =	sld [smem:$0x3FB6];
	_ =	sdelay $0x3  }
0x37: {  	[smem:$0x3FB6] =	sst s10  }
0x38: {  	s10 =	sld [smem:$0x3FB7]  }
0x39: {  	_ = 	snop;
	(pc) =	sbr.ind lr, $3  }
0x3a: {  	_ = 	snop  }
0x3b: {  	_ = 	snop  }
0x3c: {  	p2 =	seq.s32 s10, $0x1;
	s10 =	sld [smem:$0x3FB6]  }
0x3d: {  	_ =	shalt  }
0x3e: {  	_ =	shalt  }
0x3f: {  	_ =	shalt  }
0x40: {  	_ =	shalt  }
0x41: {  	_ =	shalt  }
0x42: {  	_ =	shalt  }
0x43: {  	_ =	shalt  }
0x44: {  	_ =	shalt  }
0x45: {  	_ =	shalt  }
0x46: {  	_ =	shalt  }
0x47: {  	_ =	shalt  }
0x48: {  	_ =	shalt  }
0x49: {  	_ =	shalt  }
0x4a: {  	_ =	shalt  }
0x4b: {  	_ =	shalt  }
0x4c: {  	_ =	shalt  }
0x4d: {  	_ =	shalt  }
0x4e: {  	_ =	shalt  }
0x4f: {  	_ =	shalt  }
0x50: {  	_ =	shalt  }
0x51: {  	_ =	shalt  }
0x52: {  	_ =	shalt  }
0x53: {  	_ =	shalt  }
0x54: {  	_ =	shalt  }
0x55: {  	_ =	shalt  }
0x56: {  	_ =	shalt  }
0x57: {  	_ =	shalt  }
0x58: {  	_ =	shalt  }
0x59: {  	_ =	shalt  }
0x5a: {  	_ =	shalt  }
0x5b: {  	_ =	shalt  }
0x5c: {  	_ =	shalt  }
0x5d: {  	_ =	shalt  }
0x5e: {  	_ =	shalt  }
0x5f: {  	_ =	shalt  }
0x60: {  	_ =	shalt  }
0x61: {  	_ =	shalt  }
0x62: {  	_ =	shalt  }
0x63: {  	_ =	shalt  }
0x64: {  	_ =	shalt  }
0x65: {  	_ =	shalt  }
0x66: {  	_ =	shalt  }
0x67: {  	_ =	shalt  }
0x68: {  	_ =	shalt  }
0x69: {  	_ =	shalt  }
0x6a: {  	_ =	shalt  }
0x6b: {  	_ =	shalt  }
0x6c: {  	_ =	shalt  }
0x6d: {  	_ =	shalt  }
0x6e: {  	_ =	shalt  }
0x6f: {  	_ =	shalt  }
0x70: {  	_ =	shalt  }
0x71: {  	_ =	shalt  }
0x72: {  	_ =	shalt  }
0x73: {  	_ =	shalt  }
0x74: {  	_ =	shalt  }
0x75: {  	_ =	shalt  }
0x76: {  	_ =	shalt  }
0x77: {  	_ =	shalt  }
0x78: {  	_ =	shalt  }
0x79: {  	_ =	shalt  }
0x7a: {  	_ =	shalt  }
0x7b: {  	_ =	shalt  }
0x7c: {  	_ =	shalt  }
0x7d: {  	_ =	shalt  }
0x7e: {  	_ =	shalt  }
0x7f: {  	_ =	shalt  }
0x80: {  	_ =	shalt  }
0x81: {  	_ =	shalt  }
0x82: {  	_ =	shalt  }
0x83: {  	_ =	shalt  }
0x84: {  	_ =	shalt  }
0x85: {  	_ =	shalt  }
0x86: {  	_ =	shalt  }
0x87: {  	_ =	shalt  }
.Lfunc_end0:
.L_simem_size_0:
called_computation.1_lowered:
.L_overlay_start_0:
0x88: {  	s2 =	sld [smem:$0x3FD9]  }
0x89: {  	s3 =	sld [smem:$0x3FFE];
	_ =	sdelay $0x1  }
0x8a: {  	s1 =	srdreg.scid  }
0x8b: {  	s0 =	sand.u32 $0x1, s1  }
0x8c: {  	s16 =	sshll.u32 s0, $0xA;
	s2 =	sadd.s32 s3, s2  }
0x8d: {  	s2 =	sadd.s32 s2, s16  }
0x8e: {  	[smem:$0x3FC2] =	sst s2  }
0x8f: {  	_ = 	snop  }
0x90: {  	(tm) =	ssettm $0x1  }
0x91: {  	s17 =	sld [smem:$0x3FFB];
	_ =	sdelay $0x3  }
0x92: {  	_ =	strace s17  }
0x93: {  	s2 =	sld [smem:$0x3FFC];
	_ =	sdelay $0x3  }
0x94: {  	_ =	strace s2  }
0x95: {  	s2 =	sld [smem:$0x3FFD];
	_ =	sdelay $0x3  }
0x96: {  	_ =	strace s2  }
0x97: {  	_ =	strace $0x8FFFFFFF  }
0x98: {  	s18 =	sld [smem:$0x3FDB];
	_ =	sdelay $0x1  }
0x99: {  	s19 =	simm.s32 $_scs_section_size  }
0x9a: {  	s4 =	simm.s32 $_size__tile_overlayer_lowered;
	s5 =	simm.s32 $_tile_overlayer_lowered  }
0x9b: {  	s22 =	simm.s32 $0x1BFF;
	s21 =	sshll.u32 s5, $0x1;
	s2 =	sadd.s32 s19, s18  }
0x9c: {  	s6 =	simm.s32 $0x0;
	s20 =	sshll.u32 s4, $0x1;
	s4 =	sadd.s32 s21, s2  }
0x9d: {  	[timem:s6], [sflag:s22] =	dma.local [hbm:s4], s20  }
0x9e: {  	_ =	swait.ge [sflag:s22], s20  }
0x9f: {  	s3 =	ssub.s32 $0x0, s20;
	[sflag:s22] =	ssyncset.done $0x0  }
0xa0: {  	[sflag:s22] =	ssyncadd.s32 s3;
	_ =	sdelay $0x1  }
0xa1: {  	s23 =	simm.s32 $0x1B8B  }
0xa2: {  	_ =	swait.ge [sflag:s23], $0x1  }
0xa3: {  	[sflag:s23] =	ssyncset.done $0x0  }
0xa4: {  	s25 =	simm.s32 $0x1B8E;
	s24 =	sld [smem:$0x3FFE];
	[sflag:s23] =	ssyncadd.s32 $0xFFFFFFFF  }
0xa5: {  	s26 =	simm.s32 $execute0_lowered;
	[smem:$0x3FD2] =	sst s25  }
0xa6: {  	s4 =	sshll.u32 s26, $0x1;
	_ =	strace $0x80000046;
	[dreg:$0x1] =	wrdreg $0xFFFFFFFF  }
0xa7: {  	s28 =	simm.s32 $_size_execute0_lowered;
	s2 =	sadd.s32 s2, s4;
	[dreg:$0x0] =	wrdreg $0x0  }
0xa8: {  	s4 =	sshll.u32 s28, $0x1;
	[dreg:$0x2] =	wrdreg s2  }
0xa9: {  	[dreg:$0x3] =	wrdreg s4  }
0xaa: {  	[dreg:$0x4] =	wrdreg $0xC0  }
0xab: {  	_ =	task [dreg:s6], $0x5FFFF  }
0xac: {  	[dreg:$0x1] =	wrdreg $0xFFFFFFFF  }
0xad: {  	[dreg:$0x0] =	wrdreg $0x60  }
0xae: {  	[dreg:$0x2] =	wrdreg s24  }
0xaf: {  	[dreg:$0x3] =	wrdreg $0xA  }
0xb0: {  	_ =	task.clear_ibuf [dreg:s6], $0x4FFFF;
	_ =	strace $0x90000046  }
0xb1: {  	s29 =	simm.s32 $0xA;
	_ =	strace $0x80000048  }
0xb2: {  	_ =	swait.ge [sflag:s29], $0x1  }
0xb3: {  	[sflag:s29] =	ssyncadd.s32 $0xFFFFFFFF  }
0xb4: {  	_ =	strace $0x90000048  }
0xb5: {  	_ =	sfence  }
0xb6: {  	s30 =	sld [smem:$0x0];
	_ =	sdelay $0x2  }
0xb7: {  	s31 =	sshll.u32 s1, $0xD;
	s1 =	sshrl.u32 s1, $0x2  }
0xb8: {  	s3 =	sand.u32 $0x4000, s31;
	s1 =	sadd.s32 s1, s30  }
0xb9: {  	s0 =	sor.u32 s3, s0;
	s1 =	sshll.u32 s1, $0x11  }
0xba: {  	s0 =	sor.u32 s1, s0  }
0xbb: {  	s0 =	sadd.s32 $0x8F2B, s0  }
0xbc: {  	[sflag:s0] =	ssyncadd.remote.s32 $0x1  }
0xbd: {  	_ =	sfence.sel $0xFFFF  }
0xbe: {  	[dreg:$0x0] =	wrdreg $0xFFFFFFFF;
	(pc) =	sbr.abs _section_cstart, $3  }
0xbf: {  	[dreg:$0x1] =	wrdreg $0xFFFFFFFF  }
0xc0: {  	_ =	task.clear_ibuf [dreg:s6], $0x2FFFF;
	_ =	strace $0x9FFFFFFF  }
0xc1: {  	(tm) =	ssettm $0x7FFFFFFF  }
tec
execute0_lowered:
.L_overlay_start_1:
0x0: {  	(tag) =	ssettag $0x1  }
0x1: {  	s2 =	rddreg [dreg:$0x0]  }
0x2: {  	s0 =	rddreg [dreg:$0x1]  }
0x3: {  	s1 =	srdreg.scid;
	_ =	strace $0x80000047;
	s4 =	simm.s32 $0x1  }
0x4: {  	s9 =	simm.s32 $0x3;
	s12 =	simm.s32 $0x0;
	s5 =	sshll.u32 s1, $0x4  }
.Ltmp0:
0x5: {  	s1 =	stileid.u32;
	s5 =	sand.u32 $0x10, s5;
	(pc) =	sbr.rel .LBB2_1-.Ltmp0, $4  }
0x6: {  	s10 =	simm.s32 $0x0;
	s3 =	sadd.s32 $0x400, s2;
	s6 =	sor.u32 s1, s5  }
0x7: {  	[sflag:s4] =	ssyncpa.u1 $0x0;
	s5 =	simm.s32 $0x2;
	s6 =	sshll.u32 s6, $0x6  }
0x8: {  	s7 =	sadd.s32 $0x2E400, s2;
	[sflag:s5] =	ssyncpa.u1 $0x0;
	s8 =	sadd.s32 $0x40, s6  }
0x9: {  	vm0 =	vmmov $0xff;
	vm1 =	vcmask $0x3F20;
	[sflag:s9] =	ssyncpa.u1 $0x0;
	s9 =	simm.s32 $0x40;
	s11 =	smov.u32 s6  }
.LBB2_10:
0xa: {  	[hbm:s16] =	stream.linear.scatter [tilespmem:s13], [sflag:$0x3], $0x800, $0x38;
	[tilespmem:$0x8080] =	vst v63  }
.LBB2_11:
0xb: {  	p0 =	seq.s32 s10, $0x2  }
.Ltmp1:
0xc: {  	_ = 	snop;
	(pc) =	sbr.rel @p0 .LBB2_13-.Ltmp1, $1  }
0xd: {  	_ =	sdelay $0x3  }
.LBB2_12:
0xe: {  	s12 =	sadd.s32 $0x40, s11  }
0xf: {  	s13 =	smov.u32 s6;
	p0 =	slt.s32 s12, s8  }
0x10: {  	s13 =	smov.u32 @p0 s12  }
0x11: {  	s10 =	sadd.s32 $0x1, s10;
	s12 =	smov.u32 s11;
	s11 =	smov.u32 s13  }
.LBB2_1:
0x12: {  	p0 =	sne.s32 s10, $0x0  }
.Ltmp2:
0x13: {  	_ = 	snop;
	(pc) =	sbr.rel @!p0 .LBB2_2-.Ltmp2, $1  }
0x14: {  	_ =	sdelay $0x3  }
0x15: {  	s13 =	sand.u32 $0x1, s10  }
0x16: {  	p0 =	seq.s32 s13, $0x0  }
.Ltmp3:
0x17: {  	_ = 	snop;
	(pc) =	sbr.rel @p0 .LBB2_11-.Ltmp3, $1  }
0x18: {  	_ =	sdelay $0x3  }
0x19: {  	_ =	swait.ge [sflag:s5], $0x40  }
0x1a: {  	[sflag:s5] =	ssyncset.done $0x0  }
0x1b: {  	s13 =	simm.s32 $0x0;
	[sflag:s5] =	ssyncadd.s32 $0xFFFFFFC0  }
.LBB2_5:
0x1c: {  	s14 =	sshll.u32 s13, $0x4  }
0x1d: {  	s14 =	sand.u32 $0x3FFFFFF0, s14  }
0x1e: {  	v0 =	vld.msk [tilespmem:s14+$0x40 ss:$0x1], $0xffff;
	_ =	sdelay $0x4  }
0x1f: {  	vm2 =	vgt.s32 v0, $0x0  }
0x20: {  	v0 =	vnsel vm2, $0x0, v0  }
0x21: {  	v0 =	vmin.u32 v0, $0x16FF  }
0x22: {  	s31 =	sshll.u32 s13, $0xC;
	v1 =	vshll.u32 v0, $0x5;
	v0 =	vshll.u32 v0, $0x4  }
0x23: {  	s14 =	sand.u32 $0x3FFFF000, s31;
	v1 =	vand.u32 $0x3FF00, v1;
	v0 =	vand.u32 $0x70, v0  }
0x24: {  	p0 =	por $0x1, $0x1;
	s15 =	simm.s32 $0x0;
	s14 =	sadd.s32 $0x4080, s14;
	v0 =	vor.u32 v0, v1  }
.LBB2_6:
0x25: {  	_ =	sdelay $0x1  }
0x26: {  	s15 =	sshra.s32 s15, $0x2;
	p1 =	por p0, p0  }
.Ltmp4:
0x27: {  	s15 =	sadd.s32 s15, s14;
	(pc) =	sbr.rel @p1 .LBB2_6-.Ltmp4, $4  }
0x28: {  	[tilespmem:s15], [sflag:$0x1] =	stream.indirect_vreg.gather [hbm:s3], $0x80, v0, vm0, $0x38;
	[tilespmem:$0x8080] =	vst v63  }
0x29: {  	s15 =	sadd.s32 $0x800, s15  }
0x2a: {  	[tilespmem:s15], [sflag:$0x1] =	stream.indirect_vreg.gather [hbm:s3], $0x80, v0, vm1, $0x38;
	[tilespmem:$0x8080] =	vst v63  }
0x2b: {  	p0 =	por $0x0, $0x0;
	v0 =	vadd.s32 $0x80, v0;
	s15 =	simm.s32 $0x1000  }
0x2c: {  	s13 =	sadd.s32 $0x1, s13  }
0x2d: {  	p0 =	sne.s32 s13, $0x4  }
.Ltmp5:
0x2e: {  	_ = 	snop;
	(pc) =	sbr.rel @p0 .LBB2_5-.Ltmp5, $1  }
0x2f: {  	_ =	sdelay $0x3  }
0x30: {  	s13 =	sshll.u32 s12, $0x5  }
0x31: {  	_ =	swait.ge [sflag:s4], $0x4000;
	s31 =	sshll.u32 s12, $0x4;
	s13 =	sand.u32 $0xFFFFFF00, s13  }
0x32: {  	s14 =	simm.s32 $0x100;
	s12 =	sand.u32 $0x70, s31;
	s13 =	sadd.s32 s13, s7  }
0x33: {  	s15 =	simm.s32 $0x4880;
	[sflag:s4] =	ssyncset.done $0x0;
	s12 =	sadd.s32 s12, s13  }
0x34: {  	[sflag:s4] =	ssyncadd.s32 $0xFFFFC000;
	s13 =	simm.s32 $0x4080;
	s16 =	sadd.s32 $0x0, s12  }
.LBB2_9:
0x35: {  	[hbm:s16] =	stream.linear.scatter [tilespmem:s13], [sflag:$0x3], $0x800, $0x38;
	[tilespmem:$0x8080] =	vst v63  }
0x36: {  	s16 =	smov.u32 s14;
	s13 =	smov.u32 s15;
	p0 =	sne.s32 s14, $0x700  }
.Ltmp6:
0x37: {  	s14 =	sadd.s32 $0x100, s14;
	(pc) =	sbr.rel @p0 .LBB2_9-.Ltmp6, $2  }
0x38: {  	_ =	sdelay $0x2  }
0x39: {  	s15 =	sadd.s32 $0x800, s15;
	s16 =	sadd.s32 s16, s12  }
.Ltmp7:
0x3a: {  	_ = 	snop;
	(pc) =	sbr.rel .LBB2_10-.Ltmp7, $1  }
0x3b: {  	_ =	sdelay $0x3  }
.LBB2_2:
.Ltmp8:
0x3c: {  	(pc) =	sbr.rel .LBB2_12-.Ltmp8, $4  }
0x3d: {  	_ = 	snop  }
0x3e: {  	s12 =	sshrl.u32 s11, $0x3  }
0x3f: {  	s13 =	sand.u32 $0x7, s11;
	s12 =	sadd.s32 s2, s12  }
0x40: {  	[tilespmem:s9], [sflag:$0x2] =	stream.linear.gather [hbm4b:s12+s13], $0x40, $0x38;
	[tilespmem:$0x8080] =	vst v63  }
.LBB2_13:
0x41: {  	s2 =	simm.s32 $0x3  }
0x42: {  	_ =	swait.ge [sflag:s2], $0x4000  }
0x43: {  	[sflag:s2] =	ssyncset.done $0x0  }
0x44: {  	[sflag:s2] =	ssyncadd.s32 $0xFFFFC000  }
0x45: {  	_ =	sfence.sel $0x180000  }
0x46: {  	s3 =	simm.s32 $0x2;
	[bflag:$0x0] =	sbarrier.arrive $0xFFFF  }
0x47: {  	[sflag:s3] =	ssyncpa.u1 $0x1  }
0x48: {  	s31 =	simm.s32 $0x1;
	[sflag:s2] =	ssyncpa.u1 $0x1  }
0x49: {  	[sflag:s31] =	ssyncpa.u1 $0x1  }
0x4a: {  	p0 =	sne.s32 s1, $0x0;
	_ =	strace $0x90000047  }
0x4b: {  	s0 =	sadd.s32 @!p0 $0x100000, s0;
	[bflag:$0x2] =	sbarrier.arrive $0xFFFF  }
0x4c: {  	[sflag:s0] =	ssyncadd.tile.s32 @!p0 $0x1;
	_ =	shalt  }
.Lfunc_end2:
_tile_overlayer_lowered:
.L_overlay_start_2:
0x4d: {  	(tag) =	ssettag $0x2  }
0x4e: {  	s0 =	rddreg [dreg:$0x0];
	s2 =	stileid.u32  }
0x4f: {  	s1 =	rddreg [dreg:$0x1];
	p0 =	sne.s32 s2, $0x0  }
0x50: {  	s3 =	rddreg [dreg:$0x2];
	[bflag:$0x3] =	sbarrier.arrive $0xFFFF;
	s2 =	simm.s32 @!p0 $0x1C01  }
0x51: {  	[timem:s3], [sflag:s2] =	dma.local @!p0 [hbm:s0], s1  }
0x52: {  	s0 =	simm.s32 @!p0 $0x1  }
0x53: {  	_ =	swait.ge @!p0 [sflag:s0], s1  }
0x54: {  	s1 =	ssub.s32 @!p0 $0x0, s1;
	[sflag:s0] =	ssyncset.done @!p0 $0x0  }
0x55: {  	[sflag:s0] =	ssyncadd.s32 @!p0 s1  }
0x56: {  	[bflag:$0x3] =	sbarrier.arrive $0xFFFF  }
0x57: {  	_ =	shalt  }

// kernel: gather_offload_async_start
scs
__scs_entry_jumppad:
0x0: {  	(pc) =	sbr.rel $0x88, $3  }
0x1: {  	(tag) =	ssettag $0x0;
	lr =	simm.s32 $0x1  }
0x2: {  	[smem:$0x3F9B] =	sst lr;
	_ =	strace $0xD0000000  }
0x3: {  	_ = 	snop  }
0x4: {  	_ = 	snop  }
0x5: {  	_ = 	snop  }
0x6: {  	_ = 	snop  }
0x7: {  	_ = 	snop  }
__scs_overlays_trampoline_lowered:
0x8: {  	[smem:$0x3FAA] =	sst s0  }
0x9: {  	[smem:$0x3FAB] =	sst s1  }
0xa: {  	[smem:$0x3FAC] =	sst s2  }
0xb: {  	[smem:$0x3FAD] =	sst s3  }
0xc: {  	[smem:$0x3FAE] =	sst s4  }
0xd: {  	[smem:$0x3FAF] =	sst s5  }
0xe: {  	[smem:$0x3FB0] =	sst s6  }
0xf: {  	[smem:$0x3FB1] =	sst s7  }
0x10: {  	[smem:$0x3FB2] =	sst s8  }
0x11: {  	[smem:$0x3FB3] =	sst s9;
	s0 =	simm.s32 @!p0 $0x0  }
0x12: {  	s1 =	sld [smem:$0x3F99];
	s0 =	simm.s32 @p0 $0x1  }
0x13: {  	[smem:$0x3FB4] =	sst s0;
	s0 =	simm.s32 @!p1 $0x0  }
0x14: {  	s2 =	sld [smem:$0x3F98];
	s0 =	simm.s32 @p1 $0x1  }
0x15: {  	[smem:$0x3FB5] =	sst s0;
	s0 =	simm.s32 @!p2 $0x0  }
0x16: {  	s3 =	sld [smem:$0x3FDB];
	s0 =	simm.s32 @p2 $0x1  }
0x17: {  	s4 =	simm.s32 $0x1BF5;
	[smem:$0x3FB7] =	sst s0  }
0x18: {  	s0 =	sld [smem:$0x3F9A];
	_ =	swait.ge [sflag:s4], $0x0  }
0x19: {  	s7 =	sld [smem:$0x3F9B]  }
0x1a: {  	s8 =	sadd.s32 $0xFFFFE003, lr  }
0x1b: {  	s9 =	sadd.s32 $0xFFFFFEF7, lr;
	s5 =	simm.s32 $0xFFFFFFFF;
	p2 =	slt.u32 s8, $0xFFFFF086  }
0x1c: {  	p1 =	slt.u32 s9, $0xF7A;
	s5 =	simm.s32 @!p2 $0x0  }
0x1d: {  	s5 =	simm.s32 @p1 $0x1;
	p0 =	seq.s32 s7, s2  }
0x1e: {  	s7 =	smul.u32 @!p0 $0xF7A, s2;
	p2 =	seq.s32 @!p0 s5, $0x0  }
0x1f: {  	s9 =	smul.u32 $0xF7A, s1;
	s8 =	simm.s32 @!p0 $0x1BF5;
	p2 =	por !p2, p0  }
0x20: {  	[sflag:s8] =	ssyncset.s32 @!p0 $0xFFFFF086;
	s6 =	sadd.s32 @!p0 s3, s7;
	s7 =	simm.s32 @!p0 $0x108  }
0x21: {  	s3 =	sadd.s32 s3, s9;
	s6 =	sadd.s32 @!p0 $0x88, s6;
	s7 =	simm.s32 @p2 $0x1082  }
0x22: {  	[simem:s7], [sflag:s8] =	dma.local @!p0 [hbm:s6], $0xF7A  }
0x23: {  	s9 =	sor.u32 $0xD0000000, s2;
	s6 =	simm.s32 $0x108;
	_ =	swait.ge @!p0 [sflag:s8], $0x0  }
0x24: {  	s3 =	sadd.s32 $0x88, s3;
	s6 =	simm.s32 @!p1 $0x1082;
	[sflag:s4] =	ssyncset.s32 $0xFFFFF086  }
0x25: {  	[simem:s6], [sflag:s4] =	dma.local [hbm:s3], $0xF7A  }
0x26: {  	[smem:$0x3F9B] =	sst s1;
	(tag) =	ssettag s2;
	_ =	strace s9  }
0x27: {  	s1 =	sld [smem:$0x3FAB]  }
0x28: {  	s2 =	sld [smem:$0x3FAC]  }
0x29: {  	s4 =	sld [smem:$0x3FAE]  }
0x2a: {  	p0 =	seq.s32 s5, $0x0;
	s5 =	sld [smem:$0x3FAF]  }
0x2b: {  	s6 =	sld [smem:$0x3FB0]  }
0x2c: {  	s7 =	sld [smem:$0x3FB1]  }
0x2d: {  	s3 =	simm.s32 $0x108;
	s8 =	sld [smem:$0x3FB2]  }
0x2e: {  	s3 =	simm.s32 @!p0 $0x1082;
	s9 =	sld [smem:$0x3FB3]  }
0x2f: {  	lr =	sadd.s32 s0, s3;
	s0 =	sld [smem:$0x3FAA]  }
0x30: {  	s3 =	sld [smem:$0x3FAD]  }
0x31: {  	[smem:$0x3FB6] =	sst s10  }
0x32: {  	s10 =	sld [smem:$0x3FB4];
	_ =	sdelay $0x3  }
0x33: {  	p0 =	seq.s32 s10, $0x1;
	s10 =	sld [smem:$0x3FB6];
	_ =	sdelay $0x3  }
0x34: {  	[smem:$0x3FB6] =	sst s10  }
0x35: {  	s10 =	sld [smem:$0x3FB5];
	_ =	sdelay $0x3  }
0x36: {  	p1 =	seq.s32 s10, $0x1;
	s10 =	sld [smem:$0x3FB6];
	_ =	sdelay $0x3  }
0x37: {  	[smem:$0x3FB6] =	sst s10  }
0x38: {  	s10 =	sld [smem:$0x3FB7]  }
0x39: {  	_ = 	snop;
	(pc) =	sbr.ind lr, $3  }
0x3a: {  	_ = 	snop  }
0x3b: {  	_ = 	snop  }
0x3c: {  	p2 =	seq.s32 s10, $0x1;
	s10 =	sld [smem:$0x3FB6]  }
0x3d: {  	_ =	shalt  }
0x3e: {  	_ =	shalt  }
0x3f: {  	_ =	shalt  }
0x40: {  	_ =	shalt  }
0x41: {  	_ =	shalt  }
0x42: {  	_ =	shalt  }
0x43: {  	_ =	shalt  }
0x44: {  	_ =	shalt  }
0x45: {  	_ =	shalt  }
0x46: {  	_ =	shalt  }
0x47: {  	_ =	shalt  }
0x48: {  	_ =	shalt  }
0x49: {  	_ =	shalt  }
0x4a: {  	_ =	shalt  }
0x4b: {  	_ =	shalt  }
0x4c: {  	_ =	shalt  }
0x4d: {  	_ =	shalt  }
0x4e: {  	_ =	shalt  }
0x4f: {  	_ =	shalt  }
0x50: {  	_ =	shalt  }
0x51: {  	_ =	shalt  }
0x52: {  	_ =	shalt  }
0x53: {  	_ =	shalt  }
0x54: {  	_ =	shalt  }
0x55: {  	_ =	shalt  }
0x56: {  	_ =	shalt  }
0x57: {  	_ =	shalt  }
0x58: {  	_ =	shalt  }
0x59: {  	_ =	shalt  }
0x5a: {  	_ =	shalt  }
0x5b: {  	_ =	shalt  }
0x5c: {  	_ =	shalt  }
0x5d: {  	_ =	shalt  }
0x5e: {  	_ =	shalt  }
0x5f: {  	_ =	shalt  }
0x60: {  	_ =	shalt  }
0x61: {  	_ =	shalt  }
0x62: {  	_ =	shalt  }
0x63: {  	_ =	shalt  }
0x64: {  	_ =	shalt  }
0x65: {  	_ =	shalt  }
0x66: {  	_ =	shalt  }
0x67: {  	_ =	shalt  }
0x68: {  	_ =	shalt  }
0x69: {  	_ =	shalt  }
0x6a: {  	_ =	shalt  }
0x6b: {  	_ =	shalt  }
0x6c: {  	_ =	shalt  }
0x6d: {  	_ =	shalt  }
0x6e: {  	_ =	shalt  }
0x6f: {  	_ =	shalt  }
0x70: {  	_ =	shalt  }
0x71: {  	_ =	shalt  }
0x72: {  	_ =	shalt  }
0x73: {  	_ =	shalt  }
0x74: {  	_ =	shalt  }
0x75: {  	_ =	shalt  }
0x76: {  	_ =	shalt  }
0x77: {  	_ =	shalt  }
0x78: {  	_ =	shalt  }
0x79: {  	_ =	shalt  }
0x7a: {  	_ =	shalt  }
0x7b: {  	_ =	shalt  }
0x7c: {  	_ =	shalt  }
0x7d: {  	_ =	shalt  }
0x7e: {  	_ =	shalt  }
0x7f: {  	_ =	shalt  }
0x80: {  	_ =	shalt  }
0x81: {  	_ =	shalt  }
0x82: {  	_ =	shalt  }
0x83: {  	_ =	shalt  }
0x84: {  	_ =	shalt  }
0x85: {  	_ =	shalt  }
0x86: {  	_ =	shalt  }
0x87: {  	_ =	shalt  }
.Lfunc_end0:
.L_simem_size_0:
called_computation_lowered:
.L_overlay_start_0:
0x88: {  	s2 =	sld [smem:$0x3FD9]  }
0x89: {  	s3 =	sld [smem:$0x3FFE];
	_ =	sdelay $0x1  }
0x8a: {  	s1 =	srdreg.scid  }
0x8b: {  	s0 =	sand.u32 $0x1, s1  }
0x8c: {  	s17 =	sshll.u32 s0, $0xA;
	s2 =	sadd.s32 s3, s2  }
0x8d: {  	s2 =	sadd.s32 s2, s17  }
0x8e: {  	[smem:$0x3FC2] =	sst s2  }
0x8f: {  	_ = 	snop  }
0x90: {  	s18 =	sld [smem:$0x3FD0];
	(tm) =	ssettm $0x1  }
0x91: {  	s19 =	sld [smem:$0x3FFB];
	_ =	sdelay $0x3  }
0x92: {  	_ =	strace s19  }
0x93: {  	s2 =	sld [smem:$0x3FFC];
	_ =	sdelay $0x3  }
0x94: {  	_ =	strace s2  }
0x95: {  	s2 =	sld [smem:$0x3FFD];
	_ =	sdelay $0x3  }
0x96: {  	_ =	strace s2  }
0x97: {  	_ =	strace $0x8FFFFFFF  }
0x98: {  	s20 =	sld [smem:$0x3FDB];
	_ =	sdelay $0x1  }
0x99: {  	s4 =	simm.s32 $_scs_section_size  }
0x9a: {  	s5 =	simm.s32 $_size__tile_overlayer_lowered;
	s6 =	simm.s32 $_tile_overlayer_lowered  }
0x9b: {  	s7 =	simm.s32 $0x1BFF;
	s21 =	sshll.u32 s6, $0x1;
	s4 =	sadd.s32 s4, s20  }
0x9c: {  	s22 =	simm.s32 $0x0;
	s5 =	sshll.u32 s5, $0x1;
	s6 =	sadd.s32 s21, s4  }
0x9d: {  	[timem:s22], [sflag:s7] =	dma.local [hbm:s6], s5  }
0x9e: {  	_ =	swait.ge [sflag:s7], s5  }
0x9f: {  	s5 =	ssub.s32 $0x0, s5;
	[sflag:s7] =	ssyncset.done $0x0  }
0xa0: {  	[sflag:s7] =	ssyncadd.s32 s5;
	_ =	sdelay $0x1  }
0xa1: {  	s23 =	simm.s32 $0x1B8B  }
0xa2: {  	_ =	swait.ge [sflag:s23], $0x1  }
0xa3: {  	[sflag:s23] =	ssyncset.done $0x0  }
0xa4: {  	[sflag:s23] =	ssyncadd.s32 $0xFFFFFFFF  }
0xa5: {  	s5 =	sld [smem:$0x0]  }
0xa6: {  	s6 =	sand.u32 $0xFFFFFFFE, s1  }
0xa7: {  	p0 =	sne.s32 s1, s6  }
0xa8: {  	s6 =	sshll.u32 @p0 s6, $0xE  }
0xa9: {  	s6 =	sadd.s32 @p0 $0x11B8D, s6;
	s7 =	sshll.u32 @p0 s5, $0x11  }
0xaa: {  	s6 =	sor.u32 @p0 s7, s6  }
0xab: {  	[sflag:s6] =	ssyncadd.remote.s32 @p0 $0x1;
	_ =	sdelay $0x1  }
0xac: {  	s6 =	simm.s32 @p0 $0x1B8D  }
0xad: {  	_ =	swait.eq @p0 [sflag:s6], $0x1  }
0xae: {  	[sflag:s6] =	ssyncadd.s32 @p0 $0xFFFFFFFF  }
0xaf: {  	s7 =	sshll.u32 @!p0 s1, $0xE  }
0xb0: {  	s7 =	sor.u32 @!p0 $0x4000, s7;
	s6 =	simm.s32 @!p0 $0x1B8D  }
0xb1: {  	s5 =	sshll.u32 @!p0 s5, $0x11;
	s7 =	sadd.s32 @!p0 $0x11B8D, s7;
	_ =	swait.eq @!p0 [sflag:s6], $0x1  }
0xb2: {  	s5 =	sor.u32 @!p0 s5, s7;
	[sflag:s6] =	ssyncadd.s32 @!p0 $0xFFFFFFFF  }
0xb3: {  	s25 =	simm.s32 $0x1B8E;
	s24 =	sld [smem:$0x3FFE];
	[sflag:s5] =	ssyncadd.remote.s32 @!p0 $0x1  }
0xb4: {  	s26 =	simm.s32 $execute0_lowered;
	[smem:$0x3FD2] =	sst s25  }
0xb5: {  	s6 =	sshll.u32 s26, $0x1;
	_ =	strace $0x80000049;
	[dreg:$0x1] =	wrdreg $0xFFFFFFFF  }
0xb6: {  	s28 =	simm.s32 $_size_execute0_lowered;
	s4 =	sadd.s32 s4, s6;
	[dreg:$0x0] =	wrdreg $0x0  }
0xb7: {  	s6 =	sshll.u32 s28, $0x1;
	[dreg:$0x2] =	wrdreg s4  }
0xb8: {  	[dreg:$0x3] =	wrdreg s6  }
0xb9: {  	[dreg:$0x4] =	wrdreg $0xC0  }
0xba: {  	_ =	task [dreg:s22], $0x5FFFF  }
0xbb: {  	[dreg:$0x1] =	wrdreg $0xFFFFFFFF  }
0xbc: {  	[dreg:$0x0] =	wrdreg $0x60  }
0xbd: {  	[dreg:$0x2] =	wrdreg s24  }
0xbe: {  	[dreg:$0x3] =	wrdreg s18  }
0xbf: {  	[dreg:$0x4] =	wrdreg $0x9  }
0xc0: {  	_ =	task.clear_ibuf [dreg:s22], $0x5FFFF;
	_ =	strace $0x90000049  }
0xc1: {  	s29 =	simm.s32 $0x9;
	_ =	strace $0x8000004B  }
0xc2: {  	_ =	swait.ge [sflag:s29], $0x1  }
0xc3: {  	[sflag:s29] =	ssyncadd.s32 $0xFFFFFFFF  }
0xc4: {  	_ =	strace $0x9000004B  }
0xc5: {  	_ =	sfence  }
0xc6: {  	s30 =	sld [smem:$0x0];
	_ =	sdelay $0x2  }
0xc7: {  	s31 =	sshll.u32 s1, $0xD;
	s1 =	sshrl.u32 s1, $0x2  }
0xc8: {  	s4 =	sand.u32 $0x4000, s31;
	s1 =	sadd.s32 s1, s30  }
0xc9: {  	s0 =	sor.u32 s4, s0;
	s1 =	sshll.u32 s1, $0x11  }
0xca: {  	s0 =	sor.u32 s1, s0  }
0xcb: {  	s0 =	sadd.s32 $0x8F2B, s0  }
0xcc: {  	[sflag:s0] =	ssyncadd.remote.s32 $0x1  }
0xcd: {  	_ =	sfence.sel $0xFFFF  }
0xce: {  	[dreg:$0x0] =	wrdreg $0xFFFFFFFF;
	(pc) =	sbr.abs _section_cstart, $3  }
0xcf: {  	[dreg:$0x1] =	wrdreg $0xFFFFFFFF  }
0xd0: {  	_ =	task.clear_ibuf [dreg:s22], $0x2FFFF;
	_ =	strace $0x9FFFFFFF  }
0xd1: {  	(tm) =	ssettm $0x7FFFFFFF  }
tec
execute0_lowered:
.L_overlay_start_1:
0x0: {  	(tag) =	ssettag $0x1  }
0x1: {  	s7 =	rddreg [dreg:$0x0]  }
0x2: {  	s2 =	rddreg [dreg:$0x1]  }
0x3: {  	s0 =	rddreg [dreg:$0x2]  }
0x4: {  	s1 =	srdreg.scid;
	_ =	strace $0x8000004A;
	s4 =	simm.s32 $0x1  }
0x5: {  	s9 =	simm.s32 $0x3;
	s12 =	simm.s32 $0x0;
	s5 =	sshll.u32 s1, $0x4  }
.Ltmp0:
0x6: {  	s1 =	stileid.u32;
	s5 =	sand.u32 $0x10, s5;
	(pc) =	sbr.rel .LBB2_1-.Ltmp0, $4  }
0x7: {  	s10 =	simm.s32 $0x0;
	s3 =	sadd.s32 $0x400, s7;
	s6 =	sor.u32 s1, s5  }
0x8: {  	[sflag:s4] =	ssyncpa.u1 $0x0;
	s5 =	simm.s32 $0x2;
	s6 =	sshll.u32 s6, $0x6  }
0x9: {  	s7 =	sadd.s32 $0x200, s7;
	[sflag:s5] =	ssyncpa.u1 $0x0;
	s8 =	sadd.s32 $0x40, s6  }
0xa: {  	vm0 =	vmmov $0xff;
	vm1 =	vcmask $0x3F20;
	[sflag:s9] =	ssyncpa.u1 $0x0;
	s9 =	simm.s32 $0x40;
	s11 =	smov.u32 s6  }
.LBB2_10:
0xb: {  	[hbm:s16] =	stream.linear.scatter [tilespmem:s13], [sflag:$0x3], $0x800, $0x38;
	[tilespmem:$0x8080] =	vst v63  }
.LBB2_11:
0xc: {  	p0 =	seq.s32 s10, $0x2  }
.Ltmp1:
0xd: {  	_ = 	snop;
	(pc) =	sbr.rel @p0 .LBB2_13-.Ltmp1, $1  }
0xe: {  	_ =	sdelay $0x3  }
.LBB2_12:
0xf: {  	s12 =	sadd.s32 $0x40, s11  }
0x10: {  	s13 =	smov.u32 s6;
	p0 =	slt.s32 s12, s8  }
0x11: {  	s13 =	smov.u32 @p0 s12  }
0x12: {  	s10 =	sadd.s32 $0x1, s10;
	s12 =	smov.u32 s11;
	s11 =	smov.u32 s13  }
.LBB2_1:
0x13: {  	p0 =	sne.s32 s10, $0x0  }
.Ltmp2:
0x14: {  	_ = 	snop;
	(pc) =	sbr.rel @!p0 .LBB2_2-.Ltmp2, $1  }
0x15: {  	_ =	sdelay $0x3  }
0x16: {  	s13 =	sand.u32 $0x1, s10  }
0x17: {  	p0 =	seq.s32 s13, $0x0  }
.Ltmp3:
0x18: {  	_ = 	snop;
	(pc) =	sbr.rel @p0 .LBB2_11-.Ltmp3, $1  }
0x19: {  	_ =	sdelay $0x3  }
0x1a: {  	_ =	swait.ge [sflag:s5], $0x40  }
0x1b: {  	[sflag:s5] =	ssyncset.done $0x0  }
0x1c: {  	s13 =	simm.s32 $0x0;
	[sflag:s5] =	ssyncadd.s32 $0xFFFFFFC0  }
.LBB2_5:
0x1d: {  	s14 =	sshll.u32 s13, $0x4  }
0x1e: {  	s14 =	sand.u32 $0x3FFFFFF0, s14  }
0x1f: {  	v0 =	vld.msk [tilespmem:s14+$0x40 ss:$0x1], $0xffff;
	_ =	sdelay $0x4  }
0x20: {  	vm2 =	vgt.s32 v0, $0x0  }
0x21: {  	v0 =	vnsel vm2, $0x0, v0  }
0x22: {  	v0 =	vmin.u32 v0, $0x16FF  }
0x23: {  	s31 =	sshll.u32 s13, $0xC;
	v1 =	vshll.u32 v0, $0x5;
	v0 =	vshll.u32 v0, $0x4  }
0x24: {  	s14 =	sand.u32 $0x3FFFF000, s31;
	v1 =	vand.u32 $0x3FF00, v1;
	v0 =	vand.u32 $0x70, v0  }
0x25: {  	p0 =	por $0x1, $0x1;
	s15 =	simm.s32 $0x0;
	s14 =	sadd.s32 $0x4080, s14;
	v0 =	vor.u32 v0, v1  }
.LBB2_6:
0x26: {  	_ =	sdelay $0x1  }
0x27: {  	s15 =	sshra.s32 s15, $0x2;
	p1 =	por p0, p0  }
.Ltmp4:
0x28: {  	s15 =	sadd.s32 s15, s14;
	(pc) =	sbr.rel @p1 .LBB2_6-.Ltmp4, $4  }
0x29: {  	[tilespmem:s15], [sflag:$0x1] =	stream.indirect_vreg.gather [hbm:s3], $0x80, v0, vm0, $0x38;
	[tilespmem:$0x8080] =	vst v63  }
0x2a: {  	s15 =	sadd.s32 $0x800, s15  }
0x2b: {  	[tilespmem:s15], [sflag:$0x1] =	stream.indirect_vreg.gather [hbm:s3], $0x80, v0, vm1, $0x38;
	[tilespmem:$0x8080] =	vst v63  }
0x2c: {  	p0 =	por $0x0, $0x0;
	v0 =	vadd.s32 $0x80, v0;
	s15 =	simm.s32 $0x1000  }
0x2d: {  	s13 =	sadd.s32 $0x1, s13  }
0x2e: {  	p0 =	sne.s32 s13, $0x4  }
.Ltmp5:
0x2f: {  	_ = 	snop;
	(pc) =	sbr.rel @p0 .LBB2_5-.Ltmp5, $1  }
0x30: {  	_ =	sdelay $0x3  }
0x31: {  	s13 =	sshll.u32 s12, $0x5  }
0x32: {  	_ =	swait.ge [sflag:s4], $0x4000;
	s31 =	sshll.u32 s12, $0x4;
	s13 =	sand.u32 $0xFFFFFF00, s13  }
0x33: {  	s14 =	simm.s32 $0x100;
	s12 =	sand.u32 $0x70, s31;
	s13 =	sadd.s32 s13, s2  }
0x34: {  	s15 =	simm.s32 $0x4880;
	[sflag:s4] =	ssyncset.done $0x0;
	s12 =	sadd.s32 s12, s13  }
0x35: {  	[sflag:s4] =	ssyncadd.s32 $0xFFFFC000;
	s13 =	simm.s32 $0x4080;
	s16 =	sadd.s32 $0x0, s12  }
.LBB2_9:
0x36: {  	[hbm:s16] =	stream.linear.scatter [tilespmem:s13], [sflag:$0x3], $0x800, $0x38;
	[tilespmem:$0x8080] =	vst v63  }
0x37: {  	s16 =	smov.u32 s14;
	s13 =	smov.u32 s15;
	p0 =	sne.s32 s14, $0x700  }
.Ltmp6:
0x38: {  	s14 =	sadd.s32 $0x100, s14;
	(pc) =	sbr.rel @p0 .LBB2_9-.Ltmp6, $2  }
0x39: {  	_ =	sdelay $0x2  }
0x3a: {  	s15 =	sadd.s32 $0x800, s15;
	s16 =	sadd.s32 s16, s12  }
.Ltmp7:
0x3b: {  	_ = 	snop;
	(pc) =	sbr.rel .LBB2_10-.Ltmp7, $1  }
0x3c: {  	_ =	sdelay $0x3  }
.LBB2_2:
.Ltmp8:
0x3d: {  	(pc) =	sbr.rel .LBB2_12-.Ltmp8, $4  }
0x3e: {  	_ = 	snop  }
0x3f: {  	s12 =	sshrl.u32 s11, $0x3  }
0x40: {  	s13 =	sand.u32 $0x7, s11;
	s12 =	sadd.s32 s7, s12  }
0x41: {  	[tilespmem:s9], [sflag:$0x2] =	stream.linear.gather [hbm4b:s12+s13], $0x40, $0x38;
	[tilespmem:$0x8080] =	vst v63  }
.LBB2_13:
0x42: {  	s2 =	simm.s32 $0x3  }
0x43: {  	_ =	swait.ge [sflag:s2], $0x4000  }
0x44: {  	[sflag:s2] =	ssyncset.done $0x0  }
0x45: {  	[sflag:s2] =	ssyncadd.s32 $0xFFFFC000  }
0x46: {  	_ =	sfence.sel $0x180000  }
0x47: {  	s3 =	simm.s32 $0x2;
	[bflag:$0x0] =	sbarrier.arrive $0xFFFF  }
0x48: {  	[sflag:s3] =	ssyncpa.u1 $0x1  }
0x49: {  	s31 =	simm.s32 $0x1;
	[sflag:s2] =	ssyncpa.u1 $0x1  }
0x4a: {  	[sflag:s31] =	ssyncpa.u1 $0x1  }
0x4b: {  	p0 =	sne.s32 s1, $0x0;
	_ =	strace $0x9000004A  }
0x4c: {  	s0 =	sadd.s32 @!p0 $0x100000, s0;
	[bflag:$0x2] =	sbarrier.arrive $0xFFFF  }
0x4d: {  	[sflag:s0] =	ssyncadd.tile.s32 @!p0 $0x1;
	_ =	shalt  }
.Lfunc_end2:
_tile_overlayer_lowered:
.L_overlay_start_2:
0x4e: {  	(tag) =	ssettag $0x2  }
0x4f: {  	s0 =	rddreg [dreg:$0x0];
	s2 =	stileid.u32  }
0x50: {  	s1 =	rddreg [dreg:$0x1];
	p0 =	sne.s32 s2, $0x0  }
0x51: {  	s3 =	rddreg [dreg:$0x2];
	[bflag:$0x3] =	sbarrier.arrive $0xFFFF;
	s2 =	simm.s32 @!p0 $0x1C01  }
0x52: {  	[timem:s3], [sflag:s2] =	dma.local @!p0 [hbm:s0], s1  }
0x53: {  	s0 =	simm.s32 @!p0 $0x1  }
0x54: {  	_ =	swait.ge @!p0 [sflag:s0], s1  }
0x55: {  	s1 =	ssub.s32 @!p0 $0x0, s1;
	[sflag:s0] =	ssyncset.done @!p0 $0x0  }
0x56: {  	[sflag:s0] =	ssyncadd.s32 @!p0 s1  }
0x57: {  	[bflag:$0x3] =	sbarrier.arrive $0xFFFF  }
0x58: {  	_ =	shalt  }

</sc_bundles>
